<compile_context>
chip_gen: v7x
topology: tpu7x:2x2x1
jax: 0.10.2.dev20260603
libtpu: 0.0.44.dev20260713+nightly
codegen_flags: <defaults>
</compile_context>

<pallas_src>
import jax
import jax.numpy as jnp
from jax import lax
from jax.experimental import pallas as pl
from jax.experimental.pallas import tpu as pltpu
from jax.experimental.pallas import tpu_sc as plsc

_BATCH = 4096
_VOCAB = 100000
_N_NOISE = 27
_LAMBDA = 0.1

_NS = 16
_COLS_PER_W = _BATCH // _NS
_NPAD = 32


def _body(rep_hbm, noise_hbm, out_hbm, nvec_v, data_v, acc_v, shared_s, fin_v, sem, sem2):
    sid = lax.axis_index("s")
    col_base = sid * _COLS_PER_W

    pltpu.sync_copy(noise_hbm, nvec_v.at[pl.ds(0, _N_NOISE)])
    mask = lax.iota(jnp.int32, 16) < (_N_NOISE - 16)
    nvec_v[pl.ds(16, 16)] = jnp.where(mask, nvec_v[pl.ds(16, 16)], 0)

    cp0 = pltpu.async_copy(
        rep_hbm.at[nvec_v.at[pl.ds(0, 16)], pl.ds(col_base, _COLS_PER_W)],
        data_v.at[pl.ds(0, 16)],
        sem,
    )
    cp1 = pltpu.async_copy(
        rep_hbm.at[nvec_v.at[pl.ds(16, 16)], pl.ds(col_base, _COLS_PER_W)],
        data_v.at[pl.ds(16, 16)],
        sem2,
    )

    def _row(r, accs):
        a0, a1, a2, a3 = accs
        for c in range(0, _COLS_PER_W // 16, 4):
            a0 = a0 + data_v[r, pl.ds(c * 16, 16)]
            a1 = a1 + data_v[r, pl.ds((c + 1) * 16, 16)]
            a2 = a2 + data_v[r, pl.ds((c + 2) * 16, 16)]
            a3 = a3 + data_v[r, pl.ds((c + 3) * 16, 16)]
        return a0, a1, a2, a3

    z = jnp.zeros((16,), jnp.float32)
    cp0.wait()
    accs = lax.fori_loop(0, 16, _row, (z, z, z, z))
    cp1.wait()
    accs = lax.fori_loop(16, _N_NOISE, _row, accs)
    acc_v[...] = (accs[0] + accs[1]) + (accs[2] + accs[3])

    pltpu.sync_copy(
        acc_v, shared_s.at[sid % 8, pl.ds((sid // 8) * 16, 16)]
    )
    plsc.subcore_barrier()

    @pl.when(sid == 0)
    def _finalize():
        pltpu.sync_copy(shared_s, fin_v)
        tot = jnp.zeros((16,), jnp.float32)
        for r in range(8):
            for cb in range(2):
                tot = tot + fin_v[r, pl.ds(cb * 16, 16)]
        tot = tot * (_LAMBDA / _BATCH)
        lanes = lax.iota(jnp.int32, 16)
        dnums = lax.GatherDimensionNumbers(
            offset_dims=(), collapsed_slice_dims=(0,), start_index_map=(0,)
        )
        for sh in (8, 4, 2, 1):
            idx = (lanes ^ sh).reshape(16, 1)
            tot = tot + lax.gather(
                tot, idx, dnums, (1,),
                unique_indices=True, indices_are_sorted=False,
                mode=lax.GatherScatterMode.PROMISE_IN_BOUNDS,
            )
        acc_v[...] = tot
        pltpu.sync_copy(acc_v.at[pl.ds(0, 1)], out_hbm)


def kernel(sparse_repr, noise_indices):
    rep_t = sparse_repr.T
    out = pl.kernel(
        _body,
        out_type=jax.ShapeDtypeStruct((1,), jnp.float32),
        mesh=plsc.VectorSubcoreMesh(
            core_axis_name="c", subcore_axis_name="s", num_cores=1
        ),
        compiler_params=pltpu.CompilerParams(use_tc_tiling_on_sc=True),
        scratch_types=[
            pltpu.VMEM((_NPAD,), jnp.int32),
            pltpu.VMEM((_NPAD, _COLS_PER_W), jnp.float32),
            pltpu.VMEM((16,), jnp.float32),
            pltpu.VMEM_SHARED((8, 128), jnp.float32),
            pltpu.VMEM((8, 128), jnp.float32),
            pltpu.SemaphoreType.DMA,
            pltpu.SemaphoreType.DMA,
        ],
    )(rep_t, noise_indices)
    return out.reshape(())

# --- scband reference (transcript-rebuilt; emitter-appended) ---
"""Pipeline reference for scband-explicit-noise-token-loss-52810917872251 (READ-ONLY COPY).

The authoritative reference and input builder live on the scoring server;
editing this copy changes nothing except your own understanding.
"""

import jax, jax.numpy as jnp
import numpy as np

BATCH = 4096
VOCAB = 100000
N_NOISE = 27
LAMBDA_NOISE = 0.1
PENALTY_TYPE = "sum"


def setup_inputs(seed: int = 0) -> dict:
    key = jax.random.key(seed)
    k1, k2 = jax.random.split(key)
    # Sparse lexical representation [batch, vocab]
    sparse_repr = jax.random.normal(k1, (BATCH, VOCAB), dtype=jnp.float32)
    # Buffer `noise_indices` (token ids produced by the tokenizer at init time)
    noise_indices = jax.random.randint(k2, (N_NOISE,), 0, VOCAB, dtype=jnp.int32)
    return {"sparse_repr": sparse_repr, "noise_indices": noise_indices}


def reference(sparse_repr, noise_indices):
    # noise_activations = sparse_repr[:, noise_indices]
    noise_activations = jnp.take(sparse_repr, noise_indices, axis=1)
    if PENALTY_TYPE == "sum":
        loss = noise_activations.sum(axis=-1).mean()
    elif PENALTY_TYPE == "max":
        loss = noise_activations.max(axis=-1).mean()
    elif PENALTY_TYPE == "softmax":
        weights = jax.nn.softmax(noise_activations, axis=-1)
        loss = (weights * noise_activations).sum(axis=-1).mean()
    else:
        raise ValueError(PENALTY_TYPE)
    return LAMBDA_NOISE * loss

if __name__ == "__main__":
    import jax
    _d = setup_inputs()
    print(jax.jit(kernel)(*tuple(_d.values())))

</pallas_src>

<mosaic_0001>
#map = affine_map<(d0, d1) -> (0, 0)>
#map1 = affine_map<(d0, d1) -> (0)>
module attributes {stable_mosaic.version = 14 : i64} {
  func.func @_body(%arg0: i32, %arg1: i32, %arg2: memref<100000x4096xf32, #tpu.memory_space<hbm>>, %arg3: memref<27xi32, #tpu.memory_space<hbm>>, %arg4: memref<1xf32, #tpu.memory_space<hbm>>, %arg5: memref<32xi32, #tpu.memory_space<vmem>>, %arg6: memref<32x256xf32, #tpu.memory_space<vmem>>, %arg7: memref<16xf32, #tpu.memory_space<vmem>>, %arg8: memref<8x128xf32, #tpu.memory_space<vmem_shared>>, %arg9: memref<8x128xf32, #tpu.memory_space<vmem>>, %arg10: memref<!tpu.dma_semaphore, #tpu.memory_space<semaphore_mem>>, %arg11: memref<!tpu.dma_semaphore, #tpu.memory_space<semaphore_mem>>) attributes {dimension_semantics = [#tpu.dimension_semantics<core_parallel>, #tpu.dimension_semantics<subcore_parallel>], iteration_bounds = array<i64: 1, 16>, scalar_prefetch = 0 : i64, scratch_operands = 7 : i64, tpu.core_type = #tpu.core_type<sc_vector_subcore>, window_params = [{transform_indices = #map}, {transform_indices = #map1}, {transform_indices = #map1}]} {
    %mul3A = arith.constant 256 : i32
    %mul3A_0 = arith.muli %arg1, %mul3A : i32
    "tpu.region"() ({
      %run_scoped3A = tpu.sem_alloc : memref<!tpu.dma_semaphore, #tpu.memory_space<semaphore_mem>>
      %dma_start3A_91 = arith.constant 0 : i32
      %dma_start3A_92 = tpu.memref_slice %arg5[%dma_start3A_91] : memref<32xi32, #tpu.memory_space<vmem>> -> memref<27xi32, #tpu.memory_space<vmem>>
      %dma_start3A_93 = arith.constant 0 : i32
      %dma_start3A_94 = tpu.memref_slice %arg5[%dma_start3A_93] : memref<32xi32, #tpu.memory_space<vmem>> -> memref<27xi32, #tpu.memory_space<vmem>>
      tpu.enqueue_dma source(%arg3 : memref<27xi32, #tpu.memory_space<hbm>>) target(%dma_start3A_94 : memref<27xi32, #tpu.memory_space<vmem>>) target_semaphore(%run_scoped3A : memref<!tpu.dma_semaphore, #tpu.memory_space<semaphore_mem>>)
      %dma_wait3A_95 = arith.constant 0 : i32
      %dma_wait3A_96 = tpu.memref_slice %arg5[%dma_wait3A_95] : memref<32xi32, #tpu.memory_space<vmem>> -> memref<27xi32, #tpu.memory_space<vmem>>
      %dma_wait3A_97 = arith.constant 0 : i32
      %dma_wait3A_98 = tpu.memref_slice %arg5[%dma_wait3A_97] : memref<32xi32, #tpu.memory_space<vmem>> -> memref<27xi32, #tpu.memory_space<vmem>>
      tpu.wait_dma2 semaphore(%run_scoped3A : memref<!tpu.dma_semaphore, #tpu.memory_space<semaphore_mem>>) src(%arg3 : memref<27xi32, #tpu.memory_space<hbm>>) dst(%dma_wait3A_98 : memref<27xi32, #tpu.memory_space<vmem>>)
      tpu.yield
    }) : () -> ()
    %iota3A = tpu.iota {dimensions = array<i32: 0>} : vector<16xi32>
    %lt3A = arith.constant 11 : i32
    %lt3A_1 = vector.broadcast %lt3A : i32 to vector<16xi32>
    %lt3A_2 = arith.cmpi slt, %iota3A, %lt3A_1 : vector<16xi32>
    %get3A = arith.constant 16 : index
    %get3A_3 = tpu.vector_load %arg5[%get3A] {strides = array<i32>} : memref<32xi32, #tpu.memory_space<vmem>>, vector<16xi32>,
    %get3A_4 = vector.shape_cast %get3A_3 : vector<16xi32> to vector<16xi32>
    %jit3A = arith.constant 0 : i32
    %broadcast_in_dim3A = vector.broadcast %jit3A : i32 to vector<16xi32>
    %select_n3A = arith.select %lt3A_2, %get3A_4, %broadcast_in_dim3A : vector<16xi1>, vector<16xi32>
    %swap3A = arith.constant 16 : index
    %swap3A_5 = tpu.vector_load %arg5[%swap3A] {strides = array<i32>} : memref<32xi32, #tpu.memory_space<vmem>>, vector<16xi32>,
    %swap3A_6 = vector.shape_cast %swap3A_5 : vector<16xi32> to vector<16xi32>
    %swap3A_7 = vector.shape_cast %select_n3A : vector<16xi32> to vector<16xi32>
    tpu.vector_store %arg5[%swap3A], %swap3A_7 {strides = array<i32>} : memref<32xi32, #tpu.memory_space<vmem>>, vector<16xi32>,
    %dma_start3A = arith.constant 0 : i32
    %dma_start3A_8 = arith.constant 0 : i32
    %dma_start3A_9 = tpu.memref_slice %arg6[%dma_start3A, %dma_start3A_8] : memref<32x256xf32, #tpu.memory_space<vmem>> -> memref<16x256xf32, #tpu.memory_space<vmem>>
    %dma_start3A_10 = arith.constant 0 : i32
    %dma_start3A_11 = tpu.memref_slice %arg5[%dma_start3A_10] : memref<32xi32, #tpu.memory_space<vmem>> -> memref<16xi32, #tpu.memory_space<vmem>>
    %dma_start3A_12 = arith.constant 0 : i32
    %dma_start3A_13 = tpu.memref_slice %arg2[%dma_start3A_12, %mul3A_0] : memref<100000x4096xf32, #tpu.memory_space<hbm>> -> memref<100000x256xf32, #tpu.memory_space<hbm>>
    tpu.enqueue_indirect_dma source(%dma_start3A_13 : memref<100000x256xf32, #tpu.memory_space<hbm>>) target(%dma_start3A_9 : memref<16x256xf32, #tpu.memory_space<vmem>>) offsets(%dma_start3A_11 : memref<16xi32, #tpu.memory_space<vmem>>) semaphore(%arg10 : memref<!tpu.dma_semaphore, #tpu.memory_space<semaphore_mem>>)
    %dma_start3A_14 = arith.constant 16 : i32
    %dma_start3A_15 = arith.constant 0 : i32
    %dma_start3A_16 = tpu.memref_slice %arg6[%dma_start3A_14, %dma_start3A_15] : memref<32x256xf32, #tpu.memory_space<vmem>> -> memref<16x256xf32, #tpu.memory_space<vmem>>
    %dma_start3A_17 = arith.constant 16 : i32
    %dma_start3A_18 = tpu.memref_slice %arg5[%dma_start3A_17] : memref<32xi32, #tpu.memory_space<vmem>> -> memref<16xi32, #tpu.memory_space<vmem>>
    %dma_start3A_19 = arith.constant 0 : i32
    %dma_start3A_20 = tpu.memref_slice %arg2[%dma_start3A_19, %mul3A_0] : memref<100000x4096xf32, #tpu.memory_space<hbm>> -> memref<100000x256xf32, #tpu.memory_space<hbm>>
    tpu.enqueue_indirect_dma source(%dma_start3A_20 : memref<100000x256xf32, #tpu.memory_space<hbm>>) target(%dma_start3A_16 : memref<16x256xf32, #tpu.memory_space<vmem>>) offsets(%dma_start3A_18 : memref<16xi32, #tpu.memory_space<vmem>>) semaphore(%arg11 : memref<!tpu.dma_semaphore, #tpu.memory_space<semaphore_mem>>)
    %broadcast_in_dim3A_21 = arith.constant 0.000000e+00 : f32
    %broadcast_in_dim3A_22 = vector.broadcast %broadcast_in_dim3A_21 : f32 to vector<16xf32>
    %dma_wait3A = arith.constant 0 : i32
    %dma_wait3A_23 = arith.constant 0 : i32
    %dma_wait3A_24 = tpu.memref_slice %arg6[%dma_wait3A, %dma_wait3A_23] : memref<32x256xf32, #tpu.memory_space<vmem>> -> memref<16x256xf32, #tpu.memory_space<vmem>>
    %dma_wait3A_25 = arith.constant 0 : i32
    %dma_wait3A_26 = tpu.memref_slice %arg5[%dma_wait3A_25] : memref<32xi32, #tpu.memory_space<vmem>> -> memref<16xi32, #tpu.memory_space<vmem>>
    %dma_wait3A_27 = arith.constant 0 : i32
    %dma_wait3A_28 = tpu.memref_slice %arg2[%dma_wait3A_27, %mul3A_0] : memref<100000x4096xf32, #tpu.memory_space<hbm>> -> memref<100000x256xf32, #tpu.memory_space<hbm>>
    tpu.wait_indirect_dma semaphore(%arg10 : memref<!tpu.dma_semaphore, #tpu.memory_space<semaphore_mem>>) src(%dma_wait3A_28 : memref<100000x256xf32, #tpu.memory_space<hbm>>) dst(%dma_wait3A_24 : memref<16x256xf32, #tpu.memory_space<vmem>>)
    %scan3A = arith.constant 0 : i32
    %scan3A_29 = arith.constant 16 : i32
    %scan3A_30 = arith.addi %scan3A, %scan3A_29 : i32
    %scan3A_31 = arith.constant 1 : i32
    %scan3A_32:4 = scf.for %scan3A_91 = %scan3A to %scan3A_30 step %scan3A_31 iter_args(%scan3A_92 = %broadcast_in_dim3A_22, %scan3A_93 = %broadcast_in_dim3A_22, %scan3A_94 = %broadcast_in_dim3A_22, %scan3A_95 = %broadcast_in_dim3A_22) -> (vector<16xf32>, vector<16xf32>, vector<16xf32>, vector<16xf32>)  : i32 {
      %get3A_96 = arith.index_cast %scan3A_91 : i32 to index
      %get3A_97 = arith.constant 0 : index
      %get3A_98 = tpu.vector_load %arg6[%get3A_96, %get3A_97] {strides = array<i32>} : memref<32x256xf32, #tpu.memory_space<vmem>>, vector<1x16xf32>,
      %get3A_99 = vector.shape_cast %get3A_98 : vector<1x16xf32> to vector<16xf32>
      %add3A_100 = arith.addf %scan3A_92, %get3A_99 : vector<16xf32>
      %get3A_101 = arith.index_cast %scan3A_91 : i32 to index
      %get3A_102 = arith.constant 16 : index
      %get3A_103 = tpu.vector_load %arg6[%get3A_101, %get3A_102] {strides = array<i32>} : memref<32x256xf32, #tpu.memory_space<vmem>>, vector<1x16xf32>,
      %get3A_104 = vector.shape_cast %get3A_103 : vector<1x16xf32> to vector<16xf32>
      %add3A_105 = arith.addf %scan3A_93, %get3A_104 : vector<16xf32>
      %get3A_106 = arith.index_cast %scan3A_91 : i32 to index
      %get3A_107 = arith.constant 32 : index
      %get3A_108 = tpu.vector_load %arg6[%get3A_106, %get3A_107] {strides = array<i32>} : memref<32x256xf32, #tpu.memory_space<vmem>>, vector<1x16xf32>,
      %get3A_109 = vector.shape_cast %get3A_108 : vector<1x16xf32> to vector<16xf32>
      %add3A_110 = arith.addf %scan3A_94, %get3A_109 : vector<16xf32>
      %get3A_111 = arith.index_cast %scan3A_91 : i32 to index
      %get3A_112 = arith.constant 48 : index
      %get3A_113 = tpu.vector_load %arg6[%get3A_111, %get3A_112] {strides = array<i32>} : memref<32x256xf32, #tpu.memory_space<vmem>>, vector<1x16xf32>,
      %get3A_114 = vector.shape_cast %get3A_113 : vector<1x16xf32> to vector<16xf32>
      %add3A_115 = arith.addf %scan3A_95, %get3A_114 : vector<16xf32>
      %get3A_116 = arith.index_cast %scan3A_91 : i32 to index
      %get3A_117 = arith.constant 64 : index
      %get3A_118 = tpu.vector_load %arg6[%get3A_116, %get3A_117] {strides = array<i32>} : memref<32x256xf32, #tpu.memory_space<vmem>>, vector<1x16xf32>,
      %get3A_119 = vector.shape_cast %get3A_118 : vector<1x16xf32> to vector<16xf32>
      %add3A_120 = arith.addf %add3A_100, %get3A_119 : vector<16xf32>
      %get3A_121 = arith.index_cast %scan3A_91 : i32 to index
      %get3A_122 = arith.constant 80 : index
      %get3A_123 = tpu.vector_load %arg6[%get3A_121, %get3A_122] {strides = array<i32>} : memref<32x256xf32, #tpu.memory_space<vmem>>, vector<1x16xf32>,
      %get3A_124 = vector.shape_cast %get3A_123 : vector<1x16xf32> to vector<16xf32>
      %add3A_125 = arith.addf %add3A_105, %get3A_124 : vector<16xf32>
      %get3A_126 = arith.index_cast %scan3A_91 : i32 to index
      %get3A_127 = arith.constant 96 : index
      %get3A_128 = tpu.vector_load %arg6[%get3A_126, %get3A_127] {strides = array<i32>} : memref<32x256xf32, #tpu.memory_space<vmem>>, vector<1x16xf32>,
      %get3A_129 = vector.shape_cast %get3A_128 : vector<1x16xf32> to vector<16xf32>
      %add3A_130 = arith.addf %add3A_110, %get3A_129 : vector<16xf32>
      %get3A_131 = arith.index_cast %scan3A_91 : i32 to index
      %get3A_132 = arith.constant 112 : index
      %get3A_133 = tpu.vector_load %arg6[%get3A_131, %get3A_132] {strides = array<i32>} : memref<32x256xf32, #tpu.memory_space<vmem>>, vector<1x16xf32>,
      %get3A_134 = vector.shape_cast %get3A_133 : vector<1x16xf32> to vector<16xf32>
      %add3A_135 = arith.addf %add3A_115, %get3A_134 : vector<16xf32>
      %get3A_136 = arith.index_cast %scan3A_91 : i32 to index
      %get3A_137 = arith.constant 128 : index
      %get3A_138 = tpu.vector_load %arg6[%get3A_136, %get3A_137] {strides = array<i32>} : memref<32x256xf32, #tpu.memory_space<vmem>>, vector<1x16xf32>,
      %get3A_139 = vector.shape_cast %get3A_138 : vector<1x16xf32> to vector<16xf32>
      %add3A_140 = arith.addf %add3A_120, %get3A_139 : vector<16xf32>
      %get3A_141 = arith.index_cast %scan3A_91 : i32 to index
      %get3A_142 = arith.constant 144 : index
      %get3A_143 = tpu.vector_load %arg6[%get3A_141, %get3A_142] {strides = array<i32>} : memref<32x256xf32, #tpu.memory_space<vmem>>, vector<1x16xf32>,
      %get3A_144 = vector.shape_cast %get3A_143 : vector<1x16xf32> to vector<16xf32>
      %add3A_145 = arith.addf %add3A_125, %get3A_144 : vector<16xf32>
      %get3A_146 = arith.index_cast %scan3A_91 : i32 to index
      %get3A_147 = arith.constant 160 : index
      %get3A_148 = tpu.vector_load %arg6[%get3A_146, %get3A_147] {strides = array<i32>} : memref<32x256xf32, #tpu.memory_space<vmem>>, vector<1x16xf32>,
      %get3A_149 = vector.shape_cast %get3A_148 : vector<1x16xf32> to vector<16xf32>
      %add3A_150 = arith.addf %add3A_130, %get3A_149 : vector<16xf32>
      %get3A_151 = arith.index_cast %scan3A_91 : i32 to index
      %get3A_152 = arith.constant 176 : index
      %get3A_153 = tpu.vector_load %arg6[%get3A_151, %get3A_152] {strides = array<i32>} : memref<32x256xf32, #tpu.memory_space<vmem>>, vector<1x16xf32>,
      %get3A_154 = vector.shape_cast %get3A_153 : vector<1x16xf32> to vector<16xf32>
      %add3A_155 = arith.addf %add3A_135, %get3A_154 : vector<16xf32>
      %get3A_156 = arith.index_cast %scan3A_91 : i32 to index
      %get3A_157 = arith.constant 192 : index
      %get3A_158 = tpu.vector_load %arg6[%get3A_156, %get3A_157] {strides = array<i32>} : memref<32x256xf32, #tpu.memory_space<vmem>>, vector<1x16xf32>,
      %get3A_159 = vector.shape_cast %get3A_158 : vector<1x16xf32> to vector<16xf32>
      %add3A_160 = arith.addf %add3A_140, %get3A_159 : vector<16xf32>
      %get3A_161 = arith.index_cast %scan3A_91 : i32 to index
      %get3A_162 = arith.constant 208 : index
      %get3A_163 = tpu.vector_load %arg6[%get3A_161, %get3A_162] {strides = array<i32>} : memref<32x256xf32, #tpu.memory_space<vmem>>, vector<1x16xf32>,
      %get3A_164 = vector.shape_cast %get3A_163 : vector<1x16xf32> to vector<16xf32>
      %add3A_165 = arith.addf %add3A_145, %get3A_164 : vector<16xf32>
      %get3A_166 = arith.index_cast %scan3A_91 : i32 to index
      %get3A_167 = arith.constant 224 : index
      %get3A_168 = tpu.vector_load %arg6[%get3A_166, %get3A_167] {strides = array<i32>} : memref<32x256xf32, #tpu.memory_space<vmem>>, vector<1x16xf32>,
      %get3A_169 = vector.shape_cast %get3A_168 : vector<1x16xf32> to vector<16xf32>
      %add3A_170 = arith.addf %add3A_150, %get3A_169 : vector<16xf32>
      %get3A_171 = arith.index_cast %scan3A_91 : i32 to index
      %get3A_172 = arith.constant 240 : index
      %get3A_173 = tpu.vector_load %arg6[%get3A_171, %get3A_172] {strides = array<i32>} : memref<32x256xf32, #tpu.memory_space<vmem>>, vector<1x16xf32>,
      %get3A_174 = vector.shape_cast %get3A_173 : vector<1x16xf32> to vector<16xf32>
      %add3A_175 = arith.addf %add3A_155, %get3A_174 : vector<16xf32>
      scf.yield %add3A_160, %add3A_165, %add3A_170, %add3A_175 : vector<16xf32>, vector<16xf32>, vector<16xf32>, vector<16xf32>
    }
    %scan3A_33 = arith.constant 16 : i32
    %dma_wait3A_34 = arith.constant 16 : i32
    %dma_wait3A_35 = arith.constant 0 : i32
    %dma_wait3A_36 = tpu.memref_slice %arg6[%dma_wait3A_34, %dma_wait3A_35] : memref<32x256xf32, #tpu.memory_space<vmem>> -> memref<16x256xf32, #tpu.memory_space<vmem>>
    %dma_wait3A_37 = arith.constant 16 : i32
    %dma_wait3A_38 = tpu.memref_slice %arg5[%dma_wait3A_37] : memref<32xi32, #tpu.memory_space<vmem>> -> memref<16xi32, #tpu.memory_space<vmem>>
    %dma_wait3A_39 = arith.constant 0 : i32
    %dma_wait3A_40 = tpu.memref_slice %arg2[%dma_wait3A_39, %mul3A_0] : memref<100000x4096xf32, #tpu.memory_space<hbm>> -> memref<100000x256xf32, #tpu.memory_space<hbm>>
    tpu.wait_indirect_dma semaphore(%arg11 : memref<!tpu.dma_semaphore, #tpu.memory_space<semaphore_mem>>) src(%dma_wait3A_40 : memref<100000x256xf32, #tpu.memory_space<hbm>>) dst(%dma_wait3A_36 : memref<16x256xf32, #tpu.memory_space<vmem>>)
    %scan3A_41 = arith.constant 16 : i32
    %scan3A_42 = arith.constant 11 : i32
    %scan3A_43 = arith.addi %scan3A_41, %scan3A_42 : i32
    %scan3A_44 = arith.constant 1 : i32
    %scan3A_45:4 = scf.for %scan3A_91 = %scan3A_41 to %scan3A_43 step %scan3A_44 iter_args(%scan3A_92 = %scan3A_32#0, %scan3A_93 = %scan3A_32#1, %scan3A_94 = %scan3A_32#2, %scan3A_95 = %scan3A_32#3) -> (vector<16xf32>, vector<16xf32>, vector<16xf32>, vector<16xf32>)  : i32 {
      %get3A_96 = arith.index_cast %scan3A_91 : i32 to index
      %get3A_97 = arith.constant 0 : index
      %get3A_98 = tpu.vector_load %arg6[%get3A_96, %get3A_97] {strides = array<i32>} : memref<32x256xf32, #tpu.memory_space<vmem>>, vector<1x16xf32>,
      %get3A_99 = vector.shape_cast %get3A_98 : vector<1x16xf32> to vector<16xf32>
      %add3A_100 = arith.addf %scan3A_92, %get3A_99 : vector<16xf32>
      %get3A_101 = arith.index_cast %scan3A_91 : i32 to index
      %get3A_102 = arith.constant 16 : index
      %get3A_103 = tpu.vector_load %arg6[%get3A_101, %get3A_102] {strides = array<i32>} : memref<32x256xf32, #tpu.memory_space<vmem>>, vector<1x16xf32>,
      %get3A_104 = vector.shape_cast %get3A_103 : vector<1x16xf32> to vector<16xf32>
      %add3A_105 = arith.addf %scan3A_93, %get3A_104 : vector<16xf32>
      %get3A_106 = arith.index_cast %scan3A_91 : i32 to index
      %get3A_107 = arith.constant 32 : index
      %get3A_108 = tpu.vector_load %arg6[%get3A_106, %get3A_107] {strides = array<i32>} : memref<32x256xf32, #tpu.memory_space<vmem>>, vector<1x16xf32>,
      %get3A_109 = vector.shape_cast %get3A_108 : vector<1x16xf32> to vector<16xf32>
      %add3A_110 = arith.addf %scan3A_94, %get3A_109 : vector<16xf32>
      %get3A_111 = arith.index_cast %scan3A_91 : i32 to index
      %get3A_112 = arith.constant 48 : index
      %get3A_113 = tpu.vector_load %arg6[%get3A_111, %get3A_112] {strides = array<i32>} : memref<32x256xf32, #tpu.memory_space<vmem>>, vector<1x16xf32>,
      %get3A_114 = vector.shape_cast %get3A_113 : vector<1x16xf32> to vector<16xf32>
      %add3A_115 = arith.addf %scan3A_95, %get3A_114 : vector<16xf32>
      %get3A_116 = arith.index_cast %scan3A_91 : i32 to index
      %get3A_117 = arith.constant 64 : index
      %get3A_118 = tpu.vector_load %arg6[%get3A_116, %get3A_117] {strides = array<i32>} : memref<32x256xf32, #tpu.memory_space<vmem>>, vector<1x16xf32>,
      %get3A_119 = vector.shape_cast %get3A_118 : vector<1x16xf32> to vector<16xf32>
      %add3A_120 = arith.addf %add3A_100, %get3A_119 : vector<16xf32>
      %get3A_121 = arith.index_cast %scan3A_91 : i32 to index
      %get3A_122 = arith.constant 80 : index
      %get3A_123 = tpu.vector_load %arg6[%get3A_121, %get3A_122] {strides = array<i32>} : memref<32x256xf32, #tpu.memory_space<vmem>>, vector<1x16xf32>,
      %get3A_124 = vector.shape_cast %get3A_123 : vector<1x16xf32> to vector<16xf32>
      %add3A_125 = arith.addf %add3A_105, %get3A_124 : vector<16xf32>
      %get3A_126 = arith.index_cast %scan3A_91 : i32 to index
      %get3A_127 = arith.constant 96 : index
      %get3A_128 = tpu.vector_load %arg6[%get3A_126, %get3A_127] {strides = array<i32>} : memref<32x256xf32, #tpu.memory_space<vmem>>, vector<1x16xf32>,
      %get3A_129 = vector.shape_cast %get3A_128 : vector<1x16xf32> to vector<16xf32>
      %add3A_130 = arith.addf %add3A_110, %get3A_129 : vector<16xf32>
      %get3A_131 = arith.index_cast %scan3A_91 : i32 to index
      %get3A_132 = arith.constant 112 : index
      %get3A_133 = tpu.vector_load %arg6[%get3A_131, %get3A_132] {strides = array<i32>} : memref<32x256xf32, #tpu.memory_space<vmem>>, vector<1x16xf32>,
      %get3A_134 = vector.shape_cast %get3A_133 : vector<1x16xf32> to vector<16xf32>
      %add3A_135 = arith.addf %add3A_115, %get3A_134 : vector<16xf32>
      %get3A_136 = arith.index_cast %scan3A_91 : i32 to index
      %get3A_137 = arith.constant 128 : index
      %get3A_138 = tpu.vector_load %arg6[%get3A_136, %get3A_137] {strides = array<i32>} : memref<32x256xf32, #tpu.memory_space<vmem>>, vector<1x16xf32>,
      %get3A_139 = vector.shape_cast %get3A_138 : vector<1x16xf32> to vector<16xf32>
      %add3A_140 = arith.addf %add3A_120, %get3A_139 : vector<16xf32>
      %get3A_141 = arith.index_cast %scan3A_91 : i32 to index
      %get3A_142 = arith.constant 144 : index
      %get3A_143 = tpu.vector_load %arg6[%get3A_141, %get3A_142] {strides = array<i32>} : memref<32x256xf32, #tpu.memory_space<vmem>>, vector<1x16xf32>,
      %get3A_144 = vector.shape_cast %get3A_143 : vector<1x16xf32> to vector<16xf32>
      %add3A_145 = arith.addf %add3A_125, %get3A_144 : vector<16xf32>
      %get3A_146 = arith.index_cast %scan3A_91 : i32 to index
      %get3A_147 = arith.constant 160 : index
      %get3A_148 = tpu.vector_load %arg6[%get3A_146, %get3A_147] {strides = array<i32>} : memref<32x256xf32, #tpu.memory_space<vmem>>, vector<1x16xf32>,
      %get3A_149 = vector.shape_cast %get3A_148 : vector<1x16xf32> to vector<16xf32>
      %add3A_150 = arith.addf %add3A_130, %get3A_149 : vector<16xf32>
      %get3A_151 = arith.index_cast %scan3A_91 : i32 to index
      %get3A_152 = arith.constant 176 : index
      %get3A_153 = tpu.vector_load %arg6[%get3A_151, %get3A_152] {strides = array<i32>} : memref<32x256xf32, #tpu.memory_space<vmem>>, vector<1x16xf32>,
      %get3A_154 = vector.shape_cast %get3A_153 : vector<1x16xf32> to vector<16xf32>
      %add3A_155 = arith.addf %add3A_135, %get3A_154 : vector<16xf32>
      %get3A_156 = arith.index_cast %scan3A_91 : i32 to index
      %get3A_157 = arith.constant 192 : index
      %get3A_158 = tpu.vector_load %arg6[%get3A_156, %get3A_157] {strides = array<i32>} : memref<32x256xf32, #tpu.memory_space<vmem>>, vector<1x16xf32>,
      %get3A_159 = vector.shape_cast %get3A_158 : vector<1x16xf32> to vector<16xf32>
      %add3A_160 = arith.addf %add3A_140, %get3A_159 : vector<16xf32>
      %get3A_161 = arith.index_cast %scan3A_91 : i32 to index
      %get3A_162 = arith.constant 208 : index
      %get3A_163 = tpu.vector_load %arg6[%get3A_161, %get3A_162] {strides = array<i32>} : memref<32x256xf32, #tpu.memory_space<vmem>>, vector<1x16xf32>,
      %get3A_164 = vector.shape_cast %get3A_163 : vector<1x16xf32> to vector<16xf32>
      %add3A_165 = arith.addf %add3A_145, %get3A_164 : vector<16xf32>
      %get3A_166 = arith.index_cast %scan3A_91 : i32 to index
      %get3A_167 = arith.constant 224 : index
      %get3A_168 = tpu.vector_load %arg6[%get3A_166, %get3A_167] {strides = array<i32>} : memref<32x256xf32, #tpu.memory_space<vmem>>, vector<1x16xf32>,
      %get3A_169 = vector.shape_cast %get3A_168 : vector<1x16xf32> to vector<16xf32>
      %add3A_170 = arith.addf %add3A_150, %get3A_169 : vector<16xf32>
      %get3A_171 = arith.index_cast %scan3A_91 : i32 to index
      %get3A_172 = arith.constant 240 : index
      %get3A_173 = tpu.vector_load %arg6[%get3A_171, %get3A_172] {strides = array<i32>} : memref<32x256xf32, #tpu.memory_space<vmem>>, vector<1x16xf32>,
      %get3A_174 = vector.shape_cast %get3A_173 : vector<1x16xf32> to vector<16xf32>
      %add3A_175 = arith.addf %add3A_155, %get3A_174 : vector<16xf32>
      scf.yield %add3A_160, %add3A_165, %add3A_170, %add3A_175 : vector<16xf32>, vector<16xf32>, vector<16xf32>, vector<16xf32>
    }
    %scan3A_46 = arith.constant 11 : i32
    %add3A = arith.addf %scan3A_45#0, %scan3A_45#1 : vector<16xf32>
    %add3A_47 = arith.addf %scan3A_45#2, %scan3A_45#3 : vector<16xf32>
    %add3A_48 = arith.addf %add3A, %add3A_47 : vector<16xf32>
    %swap3A_49 = arith.constant 0 : index
    %swap3A_50 = tpu.vector_load %arg7[%swap3A_49] {strides = array<i32>} : memref<16xf32, #tpu.memory_space<vmem>>, vector<16xf32>,
    %swap3A_51 = vector.shape_cast %swap3A_50 : vector<16xf32> to vector<16xf32>
    %swap3A_52 = vector.shape_cast %add3A_48 : vector<16xf32> to vector<16xf32>
    tpu.vector_store %arg7[%swap3A_49], %swap3A_52 {strides = array<i32>} : memref<16xf32, #tpu.memory_space<vmem>>, vector<16xf32>,
    %jit3A_53 = arith.constant 8 : i32
    %eq3A = arith.constant 0 : i32
    %eq3A_54 = arith.cmpi eq, %jit3A_53, %eq3A : i32
    %jit3A_55 = arith.constant 1 : i32
    %select_n3A_56 = arith.select %eq3A_54, %jit3A_55, %jit3A_53 : i32
    %rem3A = arith.remsi %arg1, %select_n3A_56 : i32
    %ne3A = arith.constant 0 : i32
    %ne3A_57 = arith.cmpi ne, %rem3A, %ne3A : i32
    %lt3A_58 = arith.constant 0 : i32
    %lt3A_59 = arith.cmpi slt, %rem3A, %lt3A_58 : i32
    %lt3A_60 = arith.constant 0 : i32
    %lt3A_61 = arith.cmpi slt, %select_n3A_56, %lt3A_60 : i32
    %ne3A_62 = arith.xori %lt3A_59, %lt3A_61 : i1
    %and3A = arith.andi %ne3A_62, %ne3A_57 : i1
    %add3A_63 = arith.addi %rem3A, %select_n3A_56 : i32
    %select_n3A_64 = arith.select %and3A, %add3A_63, %rem3A : i32
    %jit3A_65 = arith.constant 8 : i32
    %div3A = arith.divsi %arg1, %jit3A_65 : i32
    %sign3A = arith.constant 0 : i32
    %sign3A_66 = arith.cmpi sgt, %arg1, %sign3A : i32
    %sign3A_67 = arith.extui %sign3A_66 : i1 to i32
    %sign3A_68 = arith.constant 0 : i32
    %sign3A_69 = arith.cmpi slt, %arg1, %sign3A_68 : i32
    %sign3A_70 = arith.extui %sign3A_69 : i1 to i32
    %sign3A_71 = arith.subi %sign3A_67, %sign3A_70 : i32
    %sign3A_72 = arith.constant 0 : i32
    %sign3A_73 = arith.cmpi sgt, %jit3A_65, %sign3A_72 : i32
    %sign3A_74 = arith.extui %sign3A_73 : i1 to i32
    %sign3A_75 = arith.constant 0 : i32
    %sign3A_76 = arith.cmpi slt, %jit3A_65, %sign3A_75 : i32
    %sign3A_77 = arith.extui %sign3A_76 : i1 to i32
    %sign3A_78 = arith.subi %sign3A_74, %sign3A_77 : i32
    %ne3A_79 = arith.cmpi ne, %sign3A_71, %sign3A_78 : i32
    %rem3A_80 = arith.remsi %arg1, %jit3A_65 : i32
    %ne3A_81 = arith.constant 0 : i32
    %ne3A_82 = arith.cmpi ne, %rem3A_80, %ne3A_81 : i32
    %and3A_83 = arith.andi %ne3A_79, %ne3A_82 : i1
    %sub3A = arith.constant 1 : i32
    %sub3A_84 = arith.subi %div3A, %sub3A : i32
    %select_n3A_85 = arith.select %and3A_83, %sub3A_84, %div3A : i32
    %mul3A_86 = arith.constant 16 : i32
    %mul3A_87 = arith.muli %select_n3A_85, %mul3A_86 : i32
    "tpu.region"() ({
      %run_scoped3A = tpu.sem_alloc : memref<!tpu.dma_semaphore, #tpu.memory_space<semaphore_mem>>
      %dma_start3A_91 = tpu.memref_slice %arg8[%select_n3A_64, %mul3A_87] : memref<8x128xf32, #tpu.memory_space<vmem_shared>> -> memref<1x16xf32, #tpu.memory_space<vmem_shared>>
      %dma_start3A_92 = tpu.memref_squeeze %dma_start3A_91 : memref<1x16xf32, #tpu.memory_space<vmem_shared>> -> memref<16xf32, #tpu.memory_space<vmem_shared>>
      %dma_start3A_93 = tpu.memref_slice %arg8[%select_n3A_64, %mul3A_87] : memref<8x128xf32, #tpu.memory_space<vmem_shared>> -> memref<1x16xf32, #tpu.memory_space<vmem_shared>>
      %dma_start3A_94 = tpu.memref_squeeze %dma_start3A_93 : memref<1x16xf32, #tpu.memory_space<vmem_shared>> -> memref<16xf32, #tpu.memory_space<vmem_shared>>
      tpu.enqueue_dma source(%arg7 : memref<16xf32, #tpu.memory_space<vmem>>) target(%dma_start3A_94 : memref<16xf32, #tpu.memory_space<vmem_shared>>) target_semaphore(%run_scoped3A : memref<!tpu.dma_semaphore, #tpu.memory_space<semaphore_mem>>)
      %dma_wait3A_95 = tpu.memref_slice %arg8[%select_n3A_64, %mul3A_87] : memref<8x128xf32, #tpu.memory_space<vmem_shared>> -> memref<1x16xf32, #tpu.memory_space<vmem_shared>>
      %dma_wait3A_96 = tpu.memref_squeeze %dma_wait3A_95 : memref<1x16xf32, #tpu.memory_space<vmem_shared>> -> memref<16xf32, #tpu.memory_space<vmem_shared>>
      %dma_wait3A_97 = tpu.memref_slice %arg8[%select_n3A_64, %mul3A_87] : memref<8x128xf32, #tpu.memory_space<vmem_shared>> -> memref<1x16xf32, #tpu.memory_space<vmem_shared>>
      %dma_wait3A_98 = tpu.memref_squeeze %dma_wait3A_97 : memref<1x16xf32, #tpu.memory_space<vmem_shared>> -> memref<16xf32, #tpu.memory_space<vmem_shared>>
      tpu.wait_dma2 semaphore(%run_scoped3A : memref<!tpu.dma_semaphore, #tpu.memory_space<semaphore_mem>>) src(%arg7 : memref<16xf32, #tpu.memory_space<vmem>>) dst(%dma_wait3A_98 : memref<16xf32, #tpu.memory_space<vmem_shared>>)
      tpu.yield
    }) : () -> ()
    %barrier3A = arith.constant 0 : index
    tpu.barrier barrier_id(%barrier3A)
    %eq3A_88 = arith.constant 0 : i32
    %eq3A_89 = arith.cmpi eq, %arg1, %eq3A_88 : i32
    %convert_element_type3A = arith.extui %eq3A_89 : i1 to i32
    %cond3A = arith.constant 0 : i32
    %cond3A_90 = arith.cmpi ne, %convert_element_type3A, %cond3A : i32
    scf.if %cond3A_90 {
      "tpu.region"() ({
        %run_scoped3A = tpu.sem_alloc : memref<!tpu.dma_semaphore, #tpu.memory_space<semaphore_mem>>
        tpu.enqueue_dma source(%arg8 : memref<8x128xf32, #tpu.memory_space<vmem_shared>>) target(%arg9 : memref<8x128xf32, #tpu.memory_space<vmem>>) target_semaphore(%run_scoped3A : memref<!tpu.dma_semaphore, #tpu.memory_space<semaphore_mem>>)
        tpu.wait_dma2 semaphore(%run_scoped3A : memref<!tpu.dma_semaphore, #tpu.memory_space<semaphore_mem>>) src(%arg8 : memref<8x128xf32, #tpu.memory_space<vmem_shared>>) dst(%arg9 : memref<8x128xf32, #tpu.memory_space<vmem>>)
        tpu.yield
      }) : () -> ()
      %broadcast_in_dim3A_91 = arith.constant 0.000000e+00 : f32
      %broadcast_in_dim3A_92 = vector.broadcast %broadcast_in_dim3A_91 : f32 to vector<16xf32>
      %get3A_93 = arith.constant 0 : i32
      %get3A_94 = arith.index_cast %get3A_93 : i32 to index
      %get3A_95 = arith.constant 0 : index
      %get3A_96 = tpu.vector_load %arg9[%get3A_94, %get3A_95] {strides = array<i32>} : memref<8x128xf32, #tpu.memory_space<vmem>>, vector<1x16xf32>,
      %get3A_97 = vector.shape_cast %get3A_96 : vector<1x16xf32> to vector<16xf32>
      %add3A_98 = arith.addf %broadcast_in_dim3A_92, %get3A_97 : vector<16xf32>
      %get3A_99 = arith.constant 0 : i32
      %get3A_100 = arith.index_cast %get3A_99 : i32 to index
      %get3A_101 = arith.constant 16 : index
      %get3A_102 = tpu.vector_load %arg9[%get3A_100, %get3A_101] {strides = array<i32>} : memref<8x128xf32, #tpu.memory_space<vmem>>, vector<1x16xf32>,
      %get3A_103 = vector.shape_cast %get3A_102 : vector<1x16xf32> to vector<16xf32>
      %add3A_104 = arith.addf %add3A_98, %get3A_103 : vector<16xf32>
      %get3A_105 = arith.constant 1 : i32
      %get3A_106 = arith.index_cast %get3A_105 : i32 to index
      %get3A_107 = arith.constant 0 : index
      %get3A_108 = tpu.vector_load %arg9[%get3A_106, %get3A_107] {strides = array<i32>} : memref<8x128xf32, #tpu.memory_space<vmem>>, vector<1x16xf32>,
      %get3A_109 = vector.shape_cast %get3A_108 : vector<1x16xf32> to vector<16xf32>
      %add3A_110 = arith.addf %add3A_104, %get3A_109 : vector<16xf32>
      %get3A_111 = arith.constant 1 : i32
      %get3A_112 = arith.index_cast %get3A_111 : i32 to index
      %get3A_113 = arith.constant 16 : index
      %get3A_114 = tpu.vector_load %arg9[%get3A_112, %get3A_113] {strides = array<i32>} : memref<8x128xf32, #tpu.memory_space<vmem>>, vector<1x16xf32>,
      %get3A_115 = vector.shape_cast %get3A_114 : vector<1x16xf32> to vector<16xf32>
      %add3A_116 = arith.addf %add3A_110, %get3A_115 : vector<16xf32>
      %get3A_117 = arith.constant 2 : i32
      %get3A_118 = arith.index_cast %get3A_117 : i32 to index
      %get3A_119 = arith.constant 0 : index
      %get3A_120 = tpu.vector_load %arg9[%get3A_118, %get3A_119] {strides = array<i32>} : memref<8x128xf32, #tpu.memory_space<vmem>>, vector<1x16xf32>,
      %get3A_121 = vector.shape_cast %get3A_120 : vector<1x16xf32> to vector<16xf32>
      %add3A_122 = arith.addf %add3A_116, %get3A_121 : vector<16xf32>
      %get3A_123 = arith.constant 2 : i32
      %get3A_124 = arith.index_cast %get3A_123 : i32 to index
      %get3A_125 = arith.constant 16 : index
      %get3A_126 = tpu.vector_load %arg9[%get3A_124, %get3A_125] {strides = array<i32>} : memref<8x128xf32, #tpu.memory_space<vmem>>, vector<1x16xf32>,
      %get3A_127 = vector.shape_cast %get3A_126 : vector<1x16xf32> to vector<16xf32>
      %add3A_128 = arith.addf %add3A_122, %get3A_127 : vector<16xf32>
      %get3A_129 = arith.constant 3 : i32
      %get3A_130 = arith.index_cast %get3A_129 : i32 to index
      %get3A_131 = arith.constant 0 : index
      %get3A_132 = tpu.vector_load %arg9[%get3A_130, %get3A_131] {strides = array<i32>} : memref<8x128xf32, #tpu.memory_space<vmem>>, vector<1x16xf32>,
      %get3A_133 = vector.shape_cast %get3A_132 : vector<1x16xf32> to vector<16xf32>
      %add3A_134 = arith.addf %add3A_128, %get3A_133 : vector<16xf32>
      %get3A_135 = arith.constant 3 : i32
      %get3A_136 = arith.index_cast %get3A_135 : i32 to index
      %get3A_137 = arith.constant 16 : index
      %get3A_138 = tpu.vector_load %arg9[%get3A_136, %get3A_137] {strides = array<i32>} : memref<8x128xf32, #tpu.memory_space<vmem>>, vector<1x16xf32>,
      %get3A_139 = vector.shape_cast %get3A_138 : vector<1x16xf32> to vector<16xf32>
      %add3A_140 = arith.addf %add3A_134, %get3A_139 : vector<16xf32>
      %get3A_141 = arith.constant 4 : i32
      %get3A_142 = arith.index_cast %get3A_141 : i32 to index
      %get3A_143 = arith.constant 0 : index
      %get3A_144 = tpu.vector_load %arg9[%get3A_142, %get3A_143] {strides = array<i32>} : memref<8x128xf32, #tpu.memory_space<vmem>>, vector<1x16xf32>,
      %get3A_145 = vector.shape_cast %get3A_144 : vector<1x16xf32> to vector<16xf32>
      %add3A_146 = arith.addf %add3A_140, %get3A_145 : vector<16xf32>
      %get3A_147 = arith.constant 4 : i32
      %get3A_148 = arith.index_cast %get3A_147 : i32 to index
      %get3A_149 = arith.constant 16 : index
      %get3A_150 = tpu.vector_load %arg9[%get3A_148, %get3A_149] {strides = array<i32>} : memref<8x128xf32, #tpu.memory_space<vmem>>, vector<1x16xf32>,
      %get3A_151 = vector.shape_cast %get3A_150 : vector<1x16xf32> to vector<16xf32>
      %add3A_152 = arith.addf %add3A_146, %get3A_151 : vector<16xf32>
      %get3A_153 = arith.constant 5 : i32
      %get3A_154 = arith.index_cast %get3A_153 : i32 to index
      %get3A_155 = arith.constant 0 : index
      %get3A_156 = tpu.vector_load %arg9[%get3A_154, %get3A_155] {strides = array<i32>} : memref<8x128xf32, #tpu.memory_space<vmem>>, vector<1x16xf32>,
      %get3A_157 = vector.shape_cast %get3A_156 : vector<1x16xf32> to vector<16xf32>
      %add3A_158 = arith.addf %add3A_152, %get3A_157 : vector<16xf32>
      %get3A_159 = arith.constant 5 : i32
      %get3A_160 = arith.index_cast %get3A_159 : i32 to index
      %get3A_161 = arith.constant 16 : index
      %get3A_162 = tpu.vector_load %arg9[%get3A_160, %get3A_161] {strides = array<i32>} : memref<8x128xf32, #tpu.memory_space<vmem>>, vector<1x16xf32>,
      %get3A_163 = vector.shape_cast %get3A_162 : vector<1x16xf32> to vector<16xf32>
      %add3A_164 = arith.addf %add3A_158, %get3A_163 : vector<16xf32>
      %get3A_165 = arith.constant 6 : i32
      %get3A_166 = arith.index_cast %get3A_165 : i32 to index
      %get3A_167 = arith.constant 0 : index
      %get3A_168 = tpu.vector_load %arg9[%get3A_166, %get3A_167] {strides = array<i32>} : memref<8x128xf32, #tpu.memory_space<vmem>>, vector<1x16xf32>,
      %get3A_169 = vector.shape_cast %get3A_168 : vector<1x16xf32> to vector<16xf32>
      %add3A_170 = arith.addf %add3A_164, %get3A_169 : vector<16xf32>
      %get3A_171 = arith.constant 6 : i32
      %get3A_172 = arith.index_cast %get3A_171 : i32 to index
      %get3A_173 = arith.constant 16 : index
      %get3A_174 = tpu.vector_load %arg9[%get3A_172, %get3A_173] {strides = array<i32>} : memref<8x128xf32, #tpu.memory_space<vmem>>, vector<1x16xf32>,
      %get3A_175 = vector.shape_cast %get3A_174 : vector<1x16xf32> to vector<16xf32>
      %add3A_176 = arith.addf %add3A_170, %get3A_175 : vector<16xf32>
      %get3A_177 = arith.constant 7 : i32
      %get3A_178 = arith.index_cast %get3A_177 : i32 to index
      %get3A_179 = arith.constant 0 : index
      %get3A_180 = tpu.vector_load %arg9[%get3A_178, %get3A_179] {strides = array<i32>} : memref<8x128xf32, #tpu.memory_space<vmem>>, vector<1x16xf32>,
      %get3A_181 = vector.shape_cast %get3A_180 : vector<1x16xf32> to vector<16xf32>
      %add3A_182 = arith.addf %add3A_176, %get3A_181 : vector<16xf32>
      %get3A_183 = arith.constant 7 : i32
      %get3A_184 = arith.index_cast %get3A_183 : i32 to index
      %get3A_185 = arith.constant 16 : index
      %get3A_186 = tpu.vector_load %arg9[%get3A_184, %get3A_185] {strides = array<i32>} : memref<8x128xf32, #tpu.memory_space<vmem>>, vector<1x16xf32>,
      %get3A_187 = vector.shape_cast %get3A_186 : vector<1x16xf32> to vector<16xf32>
      %add3A_188 = arith.addf %add3A_182, %get3A_187 : vector<16xf32>
      %mul3A_189 = arith.constant 2.44140629E-5 : f32
      %mul3A_190 = vector.broadcast %mul3A_189 : f32 to vector<16xf32>
      %mul3A_191 = arith.mulf %add3A_188, %mul3A_190 : vector<16xf32>
      %iota3A_192 = tpu.iota {dimensions = array<i32: 0>} : vector<16xi32>
      %xor3A = arith.constant 8 : i32
      %xor3A_193 = vector.broadcast %xor3A : i32 to vector<16xi32>
      %xor3A_194 = arith.xori %iota3A_192, %xor3A_193 : vector<16xi32>
      %reshape3A = vector.shape_cast %xor3A_194 : vector<16xi32> to vector<16x1xi32>
      %gather3A = vector.shape_cast %reshape3A : vector<16x1xi32> to vector<16xi32>
      %gather3A_195 = tpu.dynamic_gather %mul3A_191[%gather3A] in [0] : vector<16xf32>, vector<16xi32> -> vector<16xf32>
      %add3A_196 = arith.addf %mul3A_191, %gather3A_195 : vector<16xf32>
      %xor3A_197 = arith.constant 4 : i32
      %xor3A_198 = vector.broadcast %xor3A_197 : i32 to vector<16xi32>
      %xor3A_199 = arith.xori %iota3A_192, %xor3A_198 : vector<16xi32>
      %reshape3A_200 = vector.shape_cast %xor3A_199 : vector<16xi32> to vector<16x1xi32>
      %gather3A_201 = vector.shape_cast %reshape3A_200 : vector<16x1xi32> to vector<16xi32>
      %gather3A_202 = tpu.dynamic_gather %add3A_196[%gather3A_201] in [0] : vector<16xf32>, vector<16xi32> -> vector<16xf32>
      %add3A_203 = arith.addf %add3A_196, %gather3A_202 : vector<16xf32>
      %xor3A_204 = arith.constant 2 : i32
      %xor3A_205 = vector.broadcast %xor3A_204 : i32 to vector<16xi32>
      %xor3A_206 = arith.xori %iota3A_192, %xor3A_205 : vector<16xi32>
      %reshape3A_207 = vector.shape_cast %xor3A_206 : vector<16xi32> to vector<16x1xi32>
      %gather3A_208 = vector.shape_cast %reshape3A_207 : vector<16x1xi32> to vector<16xi32>
      %gather3A_209 = tpu.dynamic_gather %add3A_203[%gather3A_208] in [0] : vector<16xf32>, vector<16xi32> -> vector<16xf32>
      %add3A_210 = arith.addf %add3A_203, %gather3A_209 : vector<16xf32>
      %xor3A_211 = arith.constant 1 : i32
      %xor3A_212 = vector.broadcast %xor3A_211 : i32 to vector<16xi32>
      %xor3A_213 = arith.xori %iota3A_192, %xor3A_212 : vector<16xi32>
      %reshape3A_214 = vector.shape_cast %xor3A_213 : vector<16xi32> to vector<16x1xi32>
      %gather3A_215 = vector.shape_cast %reshape3A_214 : vector<16x1xi32> to vector<16xi32>
      %gather3A_216 = tpu.dynamic_gather %add3A_210[%gather3A_215] in [0] : vector<16xf32>, vector<16xi32> -> vector<16xf32>
      %add3A_217 = arith.addf %add3A_210, %gather3A_216 : vector<16xf32>
      %swap3A_218 = arith.constant 0 : index
      %swap3A_219 = tpu.vector_load %arg7[%swap3A_218] {strides = array<i32>} : memref<16xf32, #tpu.memory_space<vmem>>, vector<16xf32>,
      %swap3A_220 = vector.shape_cast %swap3A_219 : vector<16xf32> to vector<16xf32>
      %swap3A_221 = vector.shape_cast %add3A_217 : vector<16xf32> to vector<16xf32>
      tpu.vector_store %arg7[%swap3A_218], %swap3A_221 {strides = array<i32>} : memref<16xf32, #tpu.memory_space<vmem>>, vector<16xf32>,
      "tpu.region"() ({
        %run_scoped3A = tpu.sem_alloc : memref<!tpu.dma_semaphore, #tpu.memory_space<semaphore_mem>>
        %dma_start3A_222 = arith.constant 0 : i32
        %dma_start3A_223 = tpu.memref_slice %arg7[%dma_start3A_222] : memref<16xf32, #tpu.memory_space<vmem>> -> memref<1xf32, #tpu.memory_space<vmem>>
        %dma_start3A_224 = arith.constant 0 : i32
        %dma_start3A_225 = tpu.memref_slice %arg7[%dma_start3A_224] : memref<16xf32, #tpu.memory_space<vmem>> -> memref<1xf32, #tpu.memory_space<vmem>>
        tpu.enqueue_dma source(%dma_start3A_225 : memref<1xf32, #tpu.memory_space<vmem>>) target(%arg4 : memref<1xf32, #tpu.memory_space<hbm>>) target_semaphore(%run_scoped3A : memref<!tpu.dma_semaphore, #tpu.memory_space<semaphore_mem>>)
        %dma_wait3A_226 = arith.constant 0 : i32
        %dma_wait3A_227 = tpu.memref_slice %arg7[%dma_wait3A_226] : memref<16xf32, #tpu.memory_space<vmem>> -> memref<1xf32, #tpu.memory_space<vmem>>
        %dma_wait3A_228 = arith.constant 0 : i32
        %dma_wait3A_229 = tpu.memref_slice %arg7[%dma_wait3A_228] : memref<16xf32, #tpu.memory_space<vmem>> -> memref<1xf32, #tpu.memory_space<vmem>>
        tpu.wait_dma2 semaphore(%run_scoped3A : memref<!tpu.dma_semaphore, #tpu.memory_space<semaphore_mem>>) src(%dma_wait3A_229 : memref<1xf32, #tpu.memory_space<vmem>>) dst(%arg4 : memref<1xf32, #tpu.memory_space<hbm>>)
        tpu.yield
      }) : () -> ()
    } else {
    }
    return
  }
}

</mosaic_0001>

<sc_bundles>
// kernel: kernel.3.cloned.1.call-start
scs
__scs_entry_jumppad:
0x0: {  	(pc) =	sbr.rel $0x88, $3  }
0x1: {  	(tag) =	ssettag $0x0;
	lr =	simm.s32 $0x1  }
0x2: {  	[smem:$0x3F9F] =	sst lr;
	_ =	strace $0xD0000000  }
0x3: {  	_ = 	snop  }
0x4: {  	_ = 	snop  }
0x5: {  	_ = 	snop  }
0x6: {  	_ = 	snop  }
0x7: {  	_ = 	snop  }
__scs_overlays_trampoline_lowered:
0x8: {  	[smem:$0x3FAE] =	sst s0  }
0x9: {  	[smem:$0x3FAF] =	sst s1  }
0xa: {  	[smem:$0x3FB0] =	sst s2  }
0xb: {  	[smem:$0x3FB1] =	sst s3  }
0xc: {  	[smem:$0x3FB2] =	sst s4  }
0xd: {  	[smem:$0x3FB3] =	sst s5  }
0xe: {  	[smem:$0x3FB4] =	sst s6  }
0xf: {  	[smem:$0x3FB5] =	sst s7  }
0x10: {  	[smem:$0x3FB6] =	sst s8  }
0x11: {  	[smem:$0x3FB7] =	sst s9;
	s0 =	simm.s32 @!p0 $0x0  }
0x12: {  	s1 =	sld [smem:$0x3F9D];
	s0 =	simm.s32 @p0 $0x1  }
0x13: {  	[smem:$0x3FB8] =	sst s0;
	s0 =	simm.s32 @!p1 $0x0  }
0x14: {  	s2 =	sld [smem:$0x3F9C];
	s0 =	simm.s32 @p1 $0x1  }
0x15: {  	[smem:$0x3FB9] =	sst s0;
	s0 =	simm.s32 @!p2 $0x0  }
0x16: {  	s3 =	sld [smem:$0x3FDB];
	s0 =	simm.s32 @p2 $0x1  }
0x17: {  	s4 =	simm.s32 $0x1BF5;
	[smem:$0x3FBB] =	sst s0  }
0x18: {  	s0 =	sld [smem:$0x3F9E];
	_ =	swait.ge [sflag:s4], $0x0  }
0x19: {  	s7 =	sld [smem:$0x3F9F]  }
0x1a: {  	s8 =	sadd.s32 $0xFFFFE003, lr  }
0x1b: {  	s9 =	sadd.s32 $0xFFFFFEF7, lr;
	s5 =	simm.s32 $0xFFFFFFFF;
	p2 =	slt.u32 s8, $0xFFFFF086  }
0x1c: {  	p1 =	slt.u32 s9, $0xF7A;
	s5 =	simm.s32 @!p2 $0x0  }
0x1d: {  	s5 =	simm.s32 @p1 $0x1;
	p0 =	seq.s32 s7, s2  }
0x1e: {  	s7 =	smul.u32 @!p0 $0xF7A, s2;
	p2 =	seq.s32 @!p0 s5, $0x0  }
0x1f: {  	s9 =	smul.u32 $0xF7A, s1;
	s8 =	simm.s32 @!p0 $0x1BF5;
	p2 =	por !p2, p0  }
0x20: {  	[sflag:s8] =	ssyncset.s32 @!p0 $0xFFFFF086;
	s6 =	sadd.s32 @!p0 s3, s7;
	s7 =	simm.s32 @!p0 $0x108  }
0x21: {  	s3 =	sadd.s32 s3, s9;
	s6 =	sadd.s32 @!p0 $0x88, s6;
	s7 =	simm.s32 @p2 $0x1082  }
0x22: {  	[simem:s7], [sflag:s8] =	dma.local @!p0 [hbm:s6], $0xF7A  }
0x23: {  	s9 =	sor.u32 $0xD0000000, s2;
	s6 =	simm.s32 $0x108;
	_ =	swait.ge @!p0 [sflag:s8], $0x0  }
0x24: {  	s3 =	sadd.s32 $0x88, s3;
	s6 =	simm.s32 @!p1 $0x1082;
	[sflag:s4] =	ssyncset.s32 $0xFFFFF086  }
0x25: {  	[simem:s6], [sflag:s4] =	dma.local [hbm:s3], $0xF7A  }
0x26: {  	[smem:$0x3F9F] =	sst s1;
	(tag) =	ssettag s2;
	_ =	strace s9  }
0x27: {  	s1 =	sld [smem:$0x3FAF]  }
0x28: {  	s2 =	sld [smem:$0x3FB0]  }
0x29: {  	s4 =	sld [smem:$0x3FB2]  }
0x2a: {  	p0 =	seq.s32 s5, $0x0;
	s5 =	sld [smem:$0x3FB3]  }
0x2b: {  	s6 =	sld [smem:$0x3FB4]  }
0x2c: {  	s7 =	sld [smem:$0x3FB5]  }
0x2d: {  	s3 =	simm.s32 $0x108;
	s8 =	sld [smem:$0x3FB6]  }
0x2e: {  	s3 =	simm.s32 @!p0 $0x1082;
	s9 =	sld [smem:$0x3FB7]  }
0x2f: {  	lr =	sadd.s32 s0, s3;
	s0 =	sld [smem:$0x3FAE]  }
0x30: {  	s3 =	sld [smem:$0x3FB1]  }
0x31: {  	[smem:$0x3FBA] =	sst s10  }
0x32: {  	s10 =	sld [smem:$0x3FB8];
	_ =	sdelay $0x3  }
0x33: {  	p0 =	seq.s32 s10, $0x1;
	s10 =	sld [smem:$0x3FBA];
	_ =	sdelay $0x3  }
0x34: {  	[smem:$0x3FBA] =	sst s10  }
0x35: {  	s10 =	sld [smem:$0x3FB9];
	_ =	sdelay $0x3  }
0x36: {  	p1 =	seq.s32 s10, $0x1;
	s10 =	sld [smem:$0x3FBA];
	_ =	sdelay $0x3  }
0x37: {  	[smem:$0x3FBA] =	sst s10  }
0x38: {  	s10 =	sld [smem:$0x3FBB]  }
0x39: {  	_ = 	snop;
	(pc) =	sbr.ind lr, $3  }
0x3a: {  	_ = 	snop  }
0x3b: {  	_ = 	snop  }
0x3c: {  	p2 =	seq.s32 s10, $0x1;
	s10 =	sld [smem:$0x3FBA]  }
0x3d: {  	_ =	shalt  }
0x3e: {  	_ =	shalt  }
0x3f: {  	_ =	shalt  }
0x40: {  	_ =	shalt  }
0x41: {  	_ =	shalt  }
0x42: {  	_ =	shalt  }
0x43: {  	_ =	shalt  }
0x44: {  	_ =	shalt  }
0x45: {  	_ =	shalt  }
0x46: {  	_ =	shalt  }
0x47: {  	_ =	shalt  }
0x48: {  	_ =	shalt  }
0x49: {  	_ =	shalt  }
0x4a: {  	_ =	shalt  }
0x4b: {  	_ =	shalt  }
0x4c: {  	_ =	shalt  }
0x4d: {  	_ =	shalt  }
0x4e: {  	_ =	shalt  }
0x4f: {  	_ =	shalt  }
0x50: {  	_ =	shalt  }
0x51: {  	_ =	shalt  }
0x52: {  	_ =	shalt  }
0x53: {  	_ =	shalt  }
0x54: {  	_ =	shalt  }
0x55: {  	_ =	shalt  }
0x56: {  	_ =	shalt  }
0x57: {  	_ =	shalt  }
0x58: {  	_ =	shalt  }
0x59: {  	_ =	shalt  }
0x5a: {  	_ =	shalt  }
0x5b: {  	_ =	shalt  }
0x5c: {  	_ =	shalt  }
0x5d: {  	_ =	shalt  }
0x5e: {  	_ =	shalt  }
0x5f: {  	_ =	shalt  }
0x60: {  	_ =	shalt  }
0x61: {  	_ =	shalt  }
0x62: {  	_ =	shalt  }
0x63: {  	_ =	shalt  }
0x64: {  	_ =	shalt  }
0x65: {  	_ =	shalt  }
0x66: {  	_ =	shalt  }
0x67: {  	_ =	shalt  }
0x68: {  	_ =	shalt  }
0x69: {  	_ =	shalt  }
0x6a: {  	_ =	shalt  }
0x6b: {  	_ =	shalt  }
0x6c: {  	_ =	shalt  }
0x6d: {  	_ =	shalt  }
0x6e: {  	_ =	shalt  }
0x6f: {  	_ =	shalt  }
0x70: {  	_ =	shalt  }
0x71: {  	_ =	shalt  }
0x72: {  	_ =	shalt  }
0x73: {  	_ =	shalt  }
0x74: {  	_ =	shalt  }
0x75: {  	_ =	shalt  }
0x76: {  	_ =	shalt  }
0x77: {  	_ =	shalt  }
0x78: {  	_ =	shalt  }
0x79: {  	_ =	shalt  }
0x7a: {  	_ =	shalt  }
0x7b: {  	_ =	shalt  }
0x7c: {  	_ =	shalt  }
0x7d: {  	_ =	shalt  }
0x7e: {  	_ =	shalt  }
0x7f: {  	_ =	shalt  }
0x80: {  	_ =	shalt  }
0x81: {  	_ =	shalt  }
0x82: {  	_ =	shalt  }
0x83: {  	_ =	shalt  }
0x84: {  	_ =	shalt  }
0x85: {  	_ =	shalt  }
0x86: {  	_ =	shalt  }
0x87: {  	_ =	shalt  }
.Lfunc_end0:
.L_simem_size_0:
called_computation_lowered:
.L_overlay_start_0:
0x88: {  	s0 =	sld [smem:$0x3FD9]  }
0x89: {  	s1 =	sld [smem:$0x3FFE];
	_ =	sdelay $0x3  }
0x8a: {  	s0 =	sadd.s32 s1, s0  }
0x8b: {  	[smem:$0x3FC6] =	sst s0  }
0x8c: {  	_ = 	snop  }
0x8d: {  	s0 =	sld [smem:$0x3FC9]  }
0x8e: {  	s17 =	sld [smem:$0x3FC8]  }
0x8f: {  	s2 =	sld [smem:$0x3FD0];
	(tm) =	ssettm $0x1  }
0x90: {  	s3 =	sld [smem:$0x3FFB];
	_ =	sdelay $0x3  }
0x91: {  	_ =	strace s3  }
0x92: {  	s3 =	sld [smem:$0x3FFC];
	_ =	sdelay $0x3  }
0x93: {  	_ =	strace s3  }
0x94: {  	s3 =	sld [smem:$0x3FFD];
	_ =	sdelay $0x3  }
0x95: {  	_ =	strace s3  }
0x96: {  	_ =	strace $0x8FFFFFFF  }
0x97: {  	s18 =	sld [smem:$0x3FDB];
	_ =	sdelay $0x1  }
0x98: {  	s4 =	simm.s32 $_scs_section_size  }
0x99: {  	s5 =	simm.s32 $_size__tile_overlayer_lowered;
	s6 =	simm.s32 $_tile_overlayer_lowered  }
0x9a: {  	s21 =	simm.s32 $0x1BFF;
	s20 =	sshll.u32 s6, $0x1;
	s3 =	sadd.s32 s4, s18  }
0x9b: {  	s7 =	simm.s32 $0x0;
	s19 =	sshll.u32 s5, $0x1;
	s5 =	sadd.s32 s20, s3  }
0x9c: {  	[timem:s7], [sflag:s21] =	dma.local [hbm:s5], s19  }
0x9d: {  	_ =	swait.ge [sflag:s21], s19  }
0x9e: {  	s4 =	ssub.s32 $0x0, s19;
	[sflag:s21] =	ssyncset.done $0x0  }
0x9f: {  	[sflag:s21] =	ssyncadd.s32 s4;
	_ =	sdelay $0x1  }
0xa0: {  	s22 =	simm.s32 $0x1B8B  }
0xa1: {  	_ =	swait.ge [sflag:s22], $0x1  }
0xa2: {  	[sflag:s22] =	ssyncset.done $0x0  }
0xa3: {  	s23 =	simm.s32 $0x1B8E;
	[sflag:s22] =	ssyncadd.s32 $0xFFFFFFFF  }
0xa4: {  	s24 =	simm.s32 $execute0_lowered;
	[smem:$0x3FD2] =	sst s23  }
0xa5: {  	s4 =	sshll.u32 s24, $0x1;
	_ =	strace $0x80000046;
	[dreg:$0x1] =	wrdreg $0xFFFFFFFF  }
0xa6: {  	s25 =	simm.s32 $_size_execute0_lowered;
	s3 =	sadd.s32 s3, s4;
	[dreg:$0x0] =	wrdreg $0x0  }
0xa7: {  	s4 =	sshll.u32 s25, $0x1;
	[dreg:$0x2] =	wrdreg s3  }
0xa8: {  	[dreg:$0x3] =	wrdreg s4  }
0xa9: {  	[dreg:$0x4] =	wrdreg $0xC0  }
0xaa: {  	_ =	task [dreg:s7], $0x5FFFF  }
0xab: {  	[dreg:$0x1] =	wrdreg $0xFFFFFFFF  }
0xac: {  	[dreg:$0x0] =	wrdreg $0x60  }
0xad: {  	[dreg:$0x2] =	wrdreg s0  }
0xae: {  	[dreg:$0x3] =	wrdreg s17  }
0xaf: {  	[dreg:$0x4] =	wrdreg s2  }
0xb0: {  	[dreg:$0x5] =	wrdreg $0x21000  }
0xb1: {  	[dreg:$0x6] =	wrdreg $0x9  }
0xb2: {  	_ =	task.clear_ibuf [dreg:s7], $0x7FFFF;
	_ =	strace $0x90000046  }
0xb3: {  	s26 =	simm.s32 $0x9;
	_ =	strace $0x80000048  }
0xb4: {  	_ =	swait.ge [sflag:s26], $0x1  }
0xb5: {  	[sflag:s26] =	ssyncadd.s32 $0xFFFFFFFF  }
0xb6: {  	_ =	strace $0x90000048  }
0xb7: {  	_ =	sfence  }
0xb8: {  	s28 =	sld [smem:$0x0];
	_ =	sdelay $0x1  }
0xb9: {  	s29 =	srdreg.scid  }
0xba: {  	s30 =	sshll.u32 s29, $0xD;
	s31 =	sshrl.u32 s29, $0x2  }
0xbb: {  	s1 =	sand.u32 $0x1, s29;
	s2 =	sand.u32 $0x4000, s30;
	s0 =	sadd.s32 s31, s28  }
0xbc: {  	s1 =	sor.u32 s2, s1;
	s0 =	sshll.u32 s0, $0x11  }
0xbd: {  	s0 =	sor.u32 s0, s1  }
0xbe: {  	s0 =	sadd.s32 $0x8F2B, s0  }
0xbf: {  	[sflag:s0] =	ssyncadd.remote.s32 $0x1  }
0xc0: {  	_ =	sfence.sel $0xFFFF  }
0xc1: {  	[dreg:$0x0] =	wrdreg $0xFFFFFFFF;
	(pc) =	sbr.abs _section_cstart, $3  }
0xc2: {  	[dreg:$0x1] =	wrdreg $0xFFFFFFFF  }
0xc3: {  	_ =	task.clear_ibuf [dreg:s7], $0x2FFFF;
	_ =	strace $0x9FFFFFFF  }
0xc4: {  	(tm) =	ssettm $0x7FFFFFFF  }
0xc5: {  	_ =	shalt  }
tec
execute0_lowered:
.L_overlay_start_1:
0x0: {  	(tag) =	ssettag $0x1  }
0x1: {  	s5 =	rddreg [dreg:$0x0]  }
0x2: {  	s3 =	rddreg [dreg:$0x1]  }
0x3: {  	s1 =	rddreg [dreg:$0x2]  }
0x4: {  	s2 =	rddreg [dreg:$0x3];
	s4 =	simm.s32 $0x0  }
0x5: {  	[smem:$0x7FF] =	sst s4  }
0x6: {  	s0 =	rddreg [dreg:$0x4];
	s24 =	simm.s32 $0x3;
	_ =	strace $0x80000047  }
0x7: {  	[tilespmem:s4], [sflag:$0x3] =	stream.linear.gather [hbm4b:s3+s4], $0x1B, $0x38;
	[tilespmem:$0x2540] =	vst v63  }
0x8: {  	_ =	swait.ge [sflag:s24], $0x1B  }
0x9: {  	[sflag:s24] =	ssyncset.done $0x0  }
0xa: {  	[sflag:s24] =	ssyncadd.s32 $0xFFFFFFE5  }
0xb: {  	v0 =	vld [tilespmem:$0x0];
	_ =	sdelay $0x4  }
0xc: {  	v1 =	vshll.u32 v0, $0x5  }
0xd: {  	v2 =	vlaneseq.u32;
	v0 =	vand.u32 $0x7, v0;
	v1 =	vand.u32 $0xFFFFFF00, v1  }
0xe: {  	v3 =	vshrl.u32 v2, $0x3;
	v0 =	vor.u32 v0, v1;
	v1 =	vand.u32 $0x7, v2  }
0xf: {  	v3 =	vmul.u32 $0x8, v3;
	v4 =	vld [tilespmem:$0x10];
	v5 =	vperm.xlane v0, v1  }
0x10: {  	v2 =	vor.u32 $0x8, v2  }
0x11: {  	v0 =	vperm.xlane v0, v2;
	v5 =	vadd.s32 v3, v5;
	_ =	sdelay $0x1  }
0x12: {  	vm0 =	vmmov $0x7ff;
	s3 =	stileid.u32;
	v0 =	vadd.s32 v3, v0  }
0x13: {  	s6 =	sshll.u32 s3, $0x8;
	v4 =	vnsel vm0, $0x0, v4  }
0x14: {  	vm15 =	vmmov $0xffff;
	s25 =	simm.s32 $0x80;
	s5 =	sadd.s32 s5, s6;
	[tilespmem:$0x10] =	vst v4  }
0x15: {  	[tilespmem:s25], [sflag:$0x1] =	stream.indirect_vreg.gather [hbm4b:s5+s4], $0x80, v5, vm15, $0xb8;
	[tilespmem:$0x2540] =	vst v63  }
0x16: {  	s26 =	simm.s32 $0x880  }
0x17: {  	[tilespmem:s26], [sflag:$0x1] =	stream.indirect_vreg.gather [hbm4b:s5+s4], $0x80, v0, vm15, $0xb8;
	[tilespmem:$0x2540] =	vst v63  }
0x18: {  	v0 =	vld [tilespmem:$0x10];
	_ =	sdelay $0x4  }
0x19: {  	v4 =	vshll.u32 v0, $0x5  }
0x1a: {  	v0 =	vand.u32 $0x7, v0;
	v4 =	vand.u32 $0xFFFFFF00, v4  }
0x1b: {  	v0 =	vor.u32 v0, v4  }
0x1c: {  	v1 =	vperm.xlane v0, v1;
	_ =	sdelay $0x1  }
0x1d: {  	v0 =	vperm.xlane v0, v2;
	v1 =	vadd.s32 v3, v1;
	_ =	sdelay $0x1  }
0x1e: {  	v0 =	vadd.s32 v3, v0;
	_ =	sdelay $0x1  }
0x1f: {  	s28 =	simm.s32 $0x1080  }
0x20: {  	[tilespmem:s28], [sflag:$0x2] =	stream.indirect_vreg.gather [hbm4b:s5+s4], $0x80, v1, vm15, $0xb8;
	[tilespmem:$0x2540] =	vst v63  }
0x21: {  	s29 =	simm.s32 $0x1880;
	s30 =	simm.s32 $0x1  }
0x22: {  	[tilespmem:s29], [sflag:$0x2] =	stream.indirect_vreg.gather [hbm4b:s5+s4], $0x80, v0, vm15, $0xb8;
	[tilespmem:$0x2540] =	vst v63  }
0x23: {  	_ =	swait.ge [sflag:s30], $0x1000  }
0x24: {  	s31 =	sand.u32 $0x800, s4;
	s7 =	sand.u32 $0x380, s4;
	[sflag:s30] =	ssyncset.done $0x0  }
0x25: {  	s5 =	sor.u32 s7, s31;
	[sflag:s30] =	ssyncadd.s32 $0xFFFFF000  }
0x26: {  	v0 =	vld [tilespmem:s5+$0x4C0]  }
0x27: {  	v1 =	vld [tilespmem:s5+$0x4D0]  }
0x28: {  	v2 =	vld [tilespmem:s5+$0x480]  }
0x29: {  	v4 =	vld [tilespmem:s5+$0x490]  }
0x2a: {  	v6 =	vld [tilespmem:s5+$0xC0]  }
0x2b: {  	v7 =	vld [tilespmem:s5+$0xD0]  }
0x2c: {  	v9 =	vimm.f32 $0.0e+00;
	v10 =	vld [tilespmem:s5+$0x80]  }
0x2d: {  	v8 =	vimm.f32 $0.0e+00;
	s6 =	simm.s32 $0x100;
	v5 =	vimm.f32 $0.0e+00;
	v3 =	vimm.f32 $0.0e+00;
	v11 =	vld [tilespmem:s5+$0x90]  }
.LBB2_1:
0x2e: {  	p0 =	sne.s32 s6, $0xF00;
	v12 =	vld [tilespmem:s5+$0xA0]  }
0x2f: {  	v13 =	vld [tilespmem:s5+$0xB0]  }
0x30: {  	v14 =	vld [tilespmem:s5+$0xE0]  }
0x31: {  	v15 =	vld [tilespmem:s5+$0xF0]  }
0x32: {  	v16 =	vld [tilespmem:s5+$0x4A0]  }
0x33: {  	s4 =	sadd.s32 $0x80, s4;
	v3 =	vadd.f32 v10, v3;
	v9 =	vadd.f32 v11, v9;
	v10 =	vld [tilespmem:s5+$0x4B0]  }
0x34: {  	s7 =	sand.u32 $0x800, s6;
	s8 =	sand.u32 $0x380, s4;
	v5 =	vadd.f32 v12, v5;
	v8 =	vadd.f32 v13, v8;
	v11 =	vld [tilespmem:s5+$0x4E0]  }
0x35: {  	v3 =	vadd.f32 v6, v3;
	v6 =	vadd.f32 v7, v9;
	v7 =	vld [tilespmem:s5+$0x4F0];
	s5 =	sor.u32 s8, s7  }
0x36: {  	v5 =	vadd.f32 v14, v5;
	v12 =	vld [tilespmem:s5+$0x4C0];
	v8 =	vadd.f32 v15, v8  }
0x37: {  	v3 =	vadd.f32 v2, v3;
	v6 =	vadd.f32 v4, v6;
	v13 =	vld [tilespmem:s5+$0x4D0]  }
0x38: {  	v5 =	vadd.f32 v16, v5;
	v2 =	vld [tilespmem:s5+$0x480];
	v8 =	vadd.f32 v10, v8  }
.Ltmp0:
0x39: {  	v3 =	vadd.f32 v0, v3;
	v9 =	vadd.f32 v1, v6;
	v4 =	vld [tilespmem:s5+$0x490];
	(pc) =	sbr.rel @p0 .LBB2_1-.Ltmp0, $4  }
0x3a: {  	v5 =	vadd.f32 v11, v5;
	v6 =	vld [tilespmem:s5+$0xC0];
	v8 =	vadd.f32 v7, v8  }
0x3b: {  	v7 =	vld [tilespmem:s5+$0xD0];
	v0 =	vmov v12  }
0x3c: {  	v10 =	vld [tilespmem:s5+$0x80];
	v1 =	vmov v13  }
0x3d: {  	s6 =	sadd.s32 $0x100, s6;
	v11 =	vld [tilespmem:s5+$0x90]  }
0x3e: {  	v12 =	vld [tilespmem:s5+$0xA0]  }
0x3f: {  	v13 =	vld [tilespmem:s5+$0xB0]  }
0x40: {  	v14 =	vld [tilespmem:s5+$0xE0]  }
0x41: {  	v15 =	vld [tilespmem:s5+$0xF0]  }
0x42: {  	v16 =	vld [tilespmem:s5+$0x4A0]  }
0x43: {  	v17 =	vld [tilespmem:s5+$0x4B0]  }
0x44: {  	v18 =	vld [tilespmem:s5+$0x4E0];
	s4 =	simm.s32 $0x2  }
0x45: {  	v19 =	vld [tilespmem:s5+$0x4F0];
	s6 =	simm.s32 $0x1000;
	s5 =	simm.s32 $0x800;
	_ =	swait.ge [sflag:s4], $0x1000  }
0x46: {  	s6 =	sand.u32 $0x1800, s6;
	s7 =	sand.u32 $0x380, s5;
	[sflag:s4] =	ssyncset.done $0x0  }
0x47: {  	[sflag:s4] =	ssyncadd.s32 $0xFFFFF000;
	s4 =	sor.u32 s7, s6  }
0x48: {  	v10 =	vadd.f32 v10, v3;
	v9 =	vadd.f32 v11, v9;
	v3 =	vld [tilespmem:s4+$0x4C0]  }
0x49: {  	v11 =	vadd.f32 v12, v5;
	v8 =	vadd.f32 v13, v8;
	v5 =	vld [tilespmem:s4+$0x4D0]  }
0x4a: {  	v10 =	vadd.f32 v6, v10;
	v6 =	vld [tilespmem:s4+$0x480];
	v9 =	vadd.f32 v7, v9  }
0x4b: {  	v7 =	vld [tilespmem:s4+$0x490];
	v11 =	vadd.f32 v14, v11;
	v8 =	vadd.f32 v15, v8  }
0x4c: {  	v10 =	vadd.f32 v2, v10;
	v2 =	vld [tilespmem:s4+$0xC0];
	v9 =	vadd.f32 v4, v9  }
0x4d: {  	v4 =	vld [tilespmem:s4+$0xD0];
	v11 =	vadd.f32 v16, v11;
	v63 =	vadd.f32 v17, v8  }
0x4e: {  	v8 =	vadd.f32 v0, v10;
	v10 =	vld [tilespmem:s4+$0x80];
	v9 =	vadd.f32 v1, v9  }
0x4f: {  	s6 =	simm.s32 $0x1100;
	v0 =	vadd.f32 v18, v11;
	v1 =	vadd.f32 v19, v63;
	v11 =	vld [tilespmem:s4+$0x90]  }
.LBB2_3:
0x50: {  	p0 =	sne.s32 s6, $0x1A00;
	v12 =	vld [tilespmem:s4+$0xA0]  }
0x51: {  	v13 =	vld [tilespmem:s4+$0xB0]  }
0x52: {  	v14 =	vld [tilespmem:s4+$0xE0]  }
0x53: {  	v15 =	vld [tilespmem:s4+$0xF0]  }
0x54: {  	v16 =	vld [tilespmem:s4+$0x4A0]  }
0x55: {  	s5 =	sadd.s32 $0x80, s5;
	v8 =	vadd.f32 v10, v8;
	v9 =	vadd.f32 v11, v9;
	v10 =	vld [tilespmem:s4+$0x4B0]  }
0x56: {  	s7 =	sand.u32 $0x1800, s6;
	s8 =	sand.u32 $0x380, s5;
	v0 =	vadd.f32 v12, v0;
	v1 =	vadd.f32 v13, v1;
	v11 =	vld [tilespmem:s4+$0x4E0]  }
0x57: {  	v2 =	vadd.f32 v2, v8;
	v4 =	vadd.f32 v4, v9;
	v12 =	vld [tilespmem:s4+$0x4F0];
	s4 =	sor.u32 s8, s7  }
0x58: {  	v0 =	vadd.f32 v14, v0;
	v13 =	vld [tilespmem:s4+$0x4C0];
	v1 =	vadd.f32 v15, v1  }
0x59: {  	v2 =	vadd.f32 v6, v2;
	v4 =	vadd.f32 v7, v4;
	v14 =	vld [tilespmem:s4+$0x4D0]  }
0x5a: {  	v0 =	vadd.f32 v16, v0;
	v6 =	vld [tilespmem:s4+$0x480];
	v1 =	vadd.f32 v10, v1  }
.Ltmp1:
0x5b: {  	v8 =	vadd.f32 v3, v2;
	v9 =	vadd.f32 v5, v4;
	v7 =	vld [tilespmem:s4+$0x490];
	(pc) =	sbr.rel @p0 .LBB2_3-.Ltmp1, $4  }
0x5c: {  	v0 =	vadd.f32 v11, v0;
	v2 =	vld [tilespmem:s4+$0xC0];
	v1 =	vadd.f32 v12, v1  }
0x5d: {  	v4 =	vld [tilespmem:s4+$0xD0];
	v3 =	vmov v13  }
0x5e: {  	v10 =	vld [tilespmem:s4+$0x80];
	v5 =	vmov v14  }
0x5f: {  	s6 =	sadd.s32 $0x100, s6;
	v11 =	vld [tilespmem:s4+$0x90]  }
0x60: {  	v12 =	vld [tilespmem:s4+$0xA0]  }
0x61: {  	v13 =	vld [tilespmem:s4+$0xB0]  }
0x62: {  	v14 =	vld [tilespmem:s4+$0xE0]  }
0x63: {  	v15 =	vld [tilespmem:s4+$0xF0]  }
0x64: {  	v16 =	vld [tilespmem:s4+$0x4A0]  }
0x65: {  	v60 =	vld [tilespmem:s4+$0x4B0];
	v8 =	vadd.f32 v10, v8;
	v9 =	vadd.f32 v11, v9  }
0x66: {  	v61 =	vld [tilespmem:s4+$0x4E0];
	v0 =	vadd.f32 v12, v0;
	v1 =	vadd.f32 v13, v1  }
0x67: {  	v62 =	vld [tilespmem:s4+$0x4F0];
	v2 =	vadd.f32 v2, v8;
	v4 =	vadd.f32 v4, v9  }
0x68: {  	v0 =	vadd.f32 v14, v0;
	v1 =	vadd.f32 v15, v1  }
0x69: {  	v2 =	vadd.f32 v6, v2;
	v4 =	vadd.f32 v7, v4  }
0x6a: {  	v0 =	vadd.f32 v16, v0;
	v1 =	vadd.f32 v60, v1  }
0x6b: {  	v2 =	vadd.f32 v3, v2;
	v63 =	vadd.f32 v5, v4  }
0x6c: {  	v0 =	vadd.f32 v61, v0;
	v1 =	vadd.f32 v62, v1;
	_ =	sdelay $0x1  }
0x6d: {  	v2 =	vadd.f32 v63, v2;
	v0 =	vadd.f32 v1, v0  }
0x6e: {  	s31 =	sshll.u32 s3, $0x7  }
0x6f: {  	s5 =	sshll.u32 s3, $0x1;
	s4 =	sand.u32 $0x380, s31;
	v0 =	vadd.f32 v0, v2  }
0x70: {  	s5 =	sand.u32 $0x10, s5;
	s4 =	sadd.s32 s4, s2  }
0x71: {  	s4 =	sadd.s32 s5, s4;
	s5 =	simm.s32 $0x2080;
	[tilespmem:$0x2080] =	vst v0  }
0x72: {  	[spmem:s4] =	stream.linear.scatter [tilespmem:s5], [sflag:$0x3], $0x10, $0x38;
	[tilespmem:$0x2540] =	vst v63  }
0x73: {  	s4 =	simm.s32 $0x3  }
0x74: {  	_ =	swait.ge [sflag:s4], $0x10  }
0x75: {  	[sflag:s4] =	ssyncset.done $0x0  }
0x76: {  	[sflag:s4] =	ssyncadd.s32 $0xFFFFFFF0  }
0x77: {  	p0 =	sne.s32 s3, $0x0;
	[bflag:$0x0] =	sbarrier.arrive $0xFFFF  }
0x78: {  	_ =	sfence.sel @p0 $0x180000  }
0x79: {  	[bflag:$0x0] =	sbarrier.arrive @p0 $0xFFFF  }
0x7a: {  	_ =	strace @p0 $0x90000047  }
0x7b: {  	[bflag:$0x2] =	sbarrier.arrive @p0 $0xFFFF  }
0x7c: {  	_ =	shalt @p0  }
.LBB2_5:
0x7d: {  	s3 =	simm.s32 $0x2140  }
0x7e: {  	[tilespmem:s3], [sflag:$0x3] =	stream.linear.gather [spmem:s2], $0x400, $0x38;
	[tilespmem:$0x2540] =	vst v63  }
0x7f: {  	_ =	swait.ge [sflag:s4], $0x400  }
0x80: {  	[sflag:s4] =	ssyncset.done $0x0  }
0x81: {  	[sflag:s4] =	ssyncadd.s32 $0xFFFFFC00  }
0x82: {  	v0 =	vld [tilespmem:$0x2140];
	_ =	sdelay $0x1  }
0x83: {  	v1 =	vld [tilespmem:$0x2150];
	_ =	sdelay $0x1  }
0x84: {  	v2 =	vld [tilespmem:$0x21C0]  }
0x85: {  	v0 =	vadd.f32 $0.0e+00, v0  }
0x86: {  	v3 =	vld [tilespmem:$0x21D0]  }
0x87: {  	v0 =	vadd.f32 v1, v0  }
0x88: {  	v43 =	vld [tilespmem:$0x2240]  }
0x89: {  	v0 =	vadd.f32 v2, v0  }
0x8a: {  	v44 =	vld [tilespmem:$0x2250]  }
0x8b: {  	v0 =	vadd.f32 v3, v0  }
0x8c: {  	v45 =	vld [tilespmem:$0x22C0]  }
0x8d: {  	v0 =	vadd.f32 v43, v0  }
0x8e: {  	v46 =	vld [tilespmem:$0x22D0]  }
0x8f: {  	v0 =	vadd.f32 v44, v0  }
0x90: {  	v47 =	vld [tilespmem:$0x2340]  }
0x91: {  	v0 =	vadd.f32 v45, v0  }
0x92: {  	v48 =	vld [tilespmem:$0x2350]  }
0x93: {  	v0 =	vadd.f32 v46, v0  }
0x94: {  	v49 =	vld [tilespmem:$0x23C0]  }
0x95: {  	v0 =	vadd.f32 v47, v0  }
0x96: {  	v50 =	vld [tilespmem:$0x23D0]  }
0x97: {  	v0 =	vadd.f32 v48, v0  }
0x98: {  	v51 =	vld [tilespmem:$0x2440]  }
0x99: {  	v0 =	vadd.f32 v49, v0  }
0x9a: {  	v52 =	vld [tilespmem:$0x2450]  }
0x9b: {  	v0 =	vadd.f32 v50, v0  }
0x9c: {  	v53 =	vld [tilespmem:$0x24C0]  }
0x9d: {  	v0 =	vadd.f32 v51, v0  }
0x9e: {  	v55 =	vimm.s32 $0xFEDCBA98;
	v54 =	vld [tilespmem:$0x24D0]  }
0x9f: {  	v56 =	vimm.s32 $0x76543210;
	v1 =	vunpack.c.l.s4.s8 v55;
	v0 =	vadd.f32 v52, v0  }
0xa0: {  	v2 =	vunpack.c.l.s4.s8 v56  }
0xa1: {  	v1 =	vunpack.c.0.s8.s32 v1;
	v0 =	vadd.f32 v53, v0  }
0xa2: {  	v57 =	vimm.s32 $0xBA98FEDC;
	v2 =	vunpack.c.0.s8.s32 v2  }
0xa3: {  	v58 =	vimm.s32 $0x32107654;
	v1 =	vand.u32 $0xF, v1;
	v0 =	vadd.f32 v54, v0  }
0xa4: {  	v3 =	vunpack.c.l.s4.s8 v58;
	v1 =	vcombine.low v1, v2;
	v2 =	vunpack.c.l.s4.s8 v57  }
0xa5: {  	v0 =	vmul.f32 $2.441406290e-05, v0  }
0xa6: {  	v3 =	vunpack.c.0.s8.s32 v3;
	v2 =	vunpack.c.0.s8.s32 v2  }
0xa7: {  	v1 =	vperm.xlane v0, v1  }
0xa8: {  	v60 =	vimm.s32 $0xDCFE98BA;
	v61 =	vimm.s32 $0x54761032;
	v59 =	vcombine.low v3, v2  }
0xa9: {  	v2 =	vunpack.c.l.s4.s8 v60;
	v3 =	vunpack.c.l.s4.s8 v61;
	v0 =	vadd.f32 v0, v1  }
0xaa: {  	v4 =	vimm.s32 $0x67452301  }
0xab: {  	v2 =	vunpack.c.0.s8.s32 v2;
	v3 =	vunpack.c.0.s8.s32 v3;
	v1 =	vperm.xlane v0, v59  }
0xac: {  	v62 =	vimm.s32 $0xEFCDAB89;
	v63 =	vunpack.c.l.s4.s8 v4  }
0xad: {  	v2 =	vcombine.low v3, v2;
	v0 =	vadd.f32 v0, v1;
	v1 =	vunpack.c.l.s4.s8 v62;
	_ =	sdelay $0x1  }
0xae: {  	v3 =	vunpack.c.0.s8.s32 v63;
	v2 =	vperm.xlane v0, v2;
	v1 =	vunpack.c.0.s8.s32 v1;
	_ =	sdelay $0x1  }
0xaf: {  	v0 =	vadd.f32 v0, v2;
	v1 =	vcombine.low v3, v1;
	_ =	sdelay $0x1  }
0xb0: {  	v1 =	vperm.xlane v0, v1;
	_ =	sdelay $0x1  }
0xb1: {  	v0 =	vadd.f32 v0, v1;
	_ =	sdelay $0x1  }
0xb2: {  	s31 =	simm.s32 $0x0;
	[tilespmem:$0x2080] =	vst v0  }
0xb3: {  	[hbm4b:s1+s31] =	stream.linear.scatter [tilespmem:s5], [sflag:$0x3], $0x1, $0x38;
	[tilespmem:$0x2540] =	vst v63  }
0xb4: {  	_ =	swait.ge [sflag:s4], $0x1  }
0xb5: {  	[sflag:s4] =	ssyncset.done $0x0  }
0xb6: {  	[sflag:s4] =	ssyncadd.s32 $0xFFFFFFFF  }
0xb7: {  	_ =	sfence.sel $0x180000  }
0xb8: {  	[bflag:$0x0] =	sbarrier.arrive $0xFFFF  }
0xb9: {  	_ =	strace $0x90000047  }
0xba: {  	s0 =	sadd.s32 $0x100000, s0;
	[bflag:$0x2] =	sbarrier.arrive $0xFFFF  }
0xbb: {  	[sflag:s0] =	ssyncadd.tile.s32 $0x1;
	_ =	shalt  }
.Lfunc_end2:
_tile_overlayer_lowered:
.L_overlay_start_2:
0xbc: {  	(tag) =	ssettag $0x2  }
0xbd: {  	s0 =	rddreg [dreg:$0x0];
	s2 =	stileid.u32  }
0xbe: {  	s1 =	rddreg [dreg:$0x1];
	p0 =	sne.s32 s2, $0x0  }
0xbf: {  	s3 =	rddreg [dreg:$0x2];
	[bflag:$0x3] =	sbarrier.arrive $0xFFFF;
	s2 =	simm.s32 @!p0 $0x1C03  }
0xc0: {  	[timem:s3], [sflag:s2] =	dma.local @!p0 [hbm:s0], s1  }
0xc1: {  	s0 =	simm.s32 @!p0 $0x3  }
0xc2: {  	_ =	swait.ge @!p0 [sflag:s0], s1  }
0xc3: {  	s1 =	ssub.s32 @!p0 $0x0, s1;
	[sflag:s0] =	ssyncset.done @!p0 $0x0  }
0xc4: {  	[sflag:s0] =	ssyncadd.s32 @!p0 s1  }
0xc5: {  	[bflag:$0x3] =	sbarrier.arrive $0xFFFF  }
0xc6: {  	_ =	shalt  }

</sc_bundles>
